<compile_context>
chip_gen: v7x
topology: tpu7x:2x2x1
jax: 0.10.2.dev20260603
libtpu: 0.0.44.dev20260713+nightly
codegen_flags: <defaults>
</compile_context>

<pallas_src>
import functools

import jax
import jax.numpy as jnp
from jax import lax
from jax.experimental import pallas as pl
from jax.experimental.pallas import tpu as pltpu
from jax.experimental.pallas import tpu_sc as plsc

D = 128
NC = 2
NS = 16
NW = NC * NS
CHUNK = 128
LANES = 16


def _sc_aggregate(feat_pad, src_w, dst_w, zin, n_pad):
    kch = src_w.shape[1]
    rows_per_tile = n_pad // NS

    mesh = plsc.VectorSubcoreMesh(core_axis_name="c", subcore_axis_name="s")

    @functools.partial(
        pl.kernel,
        mesh=mesh,
        compiler_params=pltpu.CompilerParams(needs_layout_passes=False),
        out_type=[
            jax.ShapeDtypeStruct((NC, n_pad, D), jnp.float32),
            jax.ShapeDtypeStruct((NW, n_pad), jnp.float32),
        ],
        scratch_types=[
            pltpu.VMEM((kch, CHUNK), jnp.int32),
            pltpu.VMEM((kch, CHUNK), jnp.int32),
            pltpu.VMEM((CHUNK, D), jnp.float32),
            pltpu.VMEM((n_pad,), jnp.float32),
            pltpu.VMEM_SHARED((n_pad, D), jnp.float32),
            pltpu.SemaphoreType.DMA,
        ],
    )
    def k(feat_hbm, src_hbm, dst_hbm, zin_hbm, agg_hbm, deg_hbm,
          src_v, dst_v, rows_v, deg_v, acc_sh, sem):
        cid = lax.axis_index("c")
        sid = lax.axis_index("s")
        wid = sid * NC + cid
        r0 = sid * rows_per_tile

        pltpu.sync_copy(zin_hbm, rows_v)
        for t in range(rows_per_tile // CHUNK):
            pltpu.sync_copy(rows_v, acc_sh.at[pl.ds(r0 + t * CHUNK, CHUNK)])

        zeros16 = jnp.zeros((LANES,), jnp.float32)

        def zbody(i, carry):
            deg_v[pl.ds(i * LANES, LANES)] = zeros16
            return carry

        lax.fori_loop(0, n_pad // LANES, zbody, 0)

        pltpu.sync_copy(src_hbm.at[wid], src_v)
        pltpu.sync_copy(dst_hbm.at[wid], dst_v)
        plsc.subcore_barrier()

        ones16 = jnp.full((LANES,), 1.0, jnp.float32)

        def body(j, carry):
            pltpu.async_copy(feat_hbm.at[src_v.at[j]], rows_v, sem).wait()
            pltpu.sync_copy(rows_v, acc_sh.at[dst_v.at[j]], add=True)
            for i in range(CHUNK // LANES):
                idx = dst_v[j, pl.ds(i * LANES, LANES)]
                plsc.addupdate_scatter(deg_v, [idx], ones16)
            return carry

        lax.fori_loop(0, kch, body, 0)
        plsc.subcore_barrier()

        pltpu.sync_copy(acc_sh.at[pl.ds(r0, rows_per_tile)],
                        agg_hbm.at[cid].at[pl.ds(r0, rows_per_tile)])
        pltpu.sync_copy(deg_v, deg_hbm.at[wid])

    return k(feat_pad, src_w, dst_w, zin)


def _tc_dense(agg2, deg_t, feat_pad, wt, b2, n_pad):
    blk = 1024
    grid = (n_pad // blk,)

    def body(agg_ref, deg_ref, f_ref, w_ref, b_ref, o_ref):
        a = agg_ref[0] + agg_ref[1]
        deg = jnp.sum(deg_ref[...], axis=1, keepdims=True)
        h = jnp.where(deg > 0.0, a / jnp.maximum(deg, 1.0), f_ref[...])
        y = jnp.dot(h, w_ref[...], preferred_element_type=jnp.float32)
        o_ref[...] = jnp.maximum(y + b_ref[...], 0.0)

    return pl.pallas_call(
        body,
        grid=grid,
        in_specs=[
            pl.BlockSpec((NC, blk, D), lambda i: (0, i, 0)),
            pl.BlockSpec((blk, NW), lambda i: (i, 0)),
            pl.BlockSpec((blk, D), lambda i: (i, 0)),
            pl.BlockSpec((D, D), lambda i: (0, 0)),
            pl.BlockSpec((1, D), lambda i: (0, 0)),
        ],
        out_specs=pl.BlockSpec((blk, D), lambda i: (i, 0)),
        out_shape=jax.ShapeDtypeStruct((n_pad, D), jnp.float32),
    )(agg2, deg_t, feat_pad, wt, b2)


@jax.jit
def kernel(feature, edge_index, W, b):
    n = feature.shape[0]
    e = edge_index.shape[1]
    n_pad = ((n + 1 + NS * CHUNK - 1) // (NS * CHUNK)) * (NS * CHUNK)
    dummy = n

    src = edge_index[0].astype(jnp.int32)
    dst = edge_index[1].astype(jnp.int32)
    kch = -(-e // (NW * CHUNK))
    e_pad = NW * CHUNK * kch
    pad = e_pad - e
    src_w = jnp.concatenate(
        [src, jnp.full((pad,), dummy, jnp.int32)]).reshape(NW, kch, CHUNK)
    dst_w = jnp.concatenate(
        [dst, jnp.full((pad,), dummy, jnp.int32)]).reshape(NW, kch, CHUNK)

    feat_pad = jnp.zeros((n_pad, D), jnp.float32).at[:n].set(feature)
    zin = jnp.zeros((CHUNK, D), jnp.float32)

    agg2, deg_p = _sc_aggregate(feat_pad, src_w, dst_w, zin, n_pad)
    out_pad = _tc_dense(agg2, deg_p.T, feat_pad, W.T, b.reshape(1, D), n_pad)
    return out_pad[:n]

# --- scband reference (transcript-rebuilt; emitter-appended) ---
"""Pipeline reference for scband-gcn-28252294873420 (READ-ONLY COPY).

The authoritative reference and input builder live on the scoring server;
editing this copy changes nothing except your own understanding.
"""

import jax, jax.numpy as jnp
import numpy as np

N_NODES = 10000
D_IN = 128
D_OUT = 128
N_EDGES = 320000


def setup_inputs(seed: int = 0) -> dict:
    key = jax.random.key(seed)
    k1, k2, k3, k4 = jax.random.split(key, 4)
    feature = jax.random.normal(k1, (N_NODES, D_IN), dtype=jnp.float32)
    edge_index = jax.random.randint(k2, (2, N_EDGES), 0, N_NODES, dtype=jnp.int64)
    # nn.Linear(in_feats, out_feats) params (kaiming-uniform-ish init)
    bound = 1.0 / np.sqrt(D_IN)
    W = jax.random.uniform(k3, (D_OUT, D_IN), minval=-bound, maxval=bound, dtype=jnp.float32)
    b = jax.random.uniform(k4, (D_OUT,), minval=-bound, maxval=bound, dtype=jnp.float32)
    return {"feature": feature, "edge_index": edge_index, "W": W, "b": b}


def reference(feature, edge_index, W, b):
    # DGL update_all(copy_src, mean-reduce): each dst node averages incoming
    # src features; nodes with zero in-degree keep their original feature.
    src = edge_index[0]
    dst = edge_index[1]
    msgs = jnp.take(feature, src, axis=0)  # gather src features
    agg = jnp.zeros((N_NODES, D_IN), dtype=feature.dtype).at[dst].add(msgs)  # scatter-add
    deg = jnp.zeros((N_NODES,), dtype=feature.dtype).at[dst].add(1.0)
    mean = agg / jnp.maximum(deg, 1.0)[:, None]
    h = jnp.where(deg[:, None] > 0, mean, feature)
    # apply_nodes: ReLU(W h + b) on all nodes
    out = jax.nn.relu(h @ W.T + b)
    return out

if __name__ == "__main__":
    import jax
    _d = setup_inputs()
    print(jax.jit(kernel)(*tuple(_d.values())))

</pallas_src>

<mosaic_0001>
#map = affine_map<(d0, d1) -> (0, 0)>
#map1 = affine_map<(d0, d1) -> (0, 0, 0)>
module attributes {stable_mosaic.version = 14 : i64} {
  func.func @k(%arg0: i32, %arg1: i32, %arg2: memref<10240x128xf32, #tpu.memory_space<hbm>>, %arg3: memref<32x79x128xi32, #tpu.memory_space<hbm>>, %arg4: memref<32x79x128xi32, #tpu.memory_space<hbm>>, %arg5: memref<128x128xf32, #tpu.memory_space<hbm>>, %arg6: memref<2x10240x128xf32, #tpu.memory_space<hbm>>, %arg7: memref<32x10240xf32, #tpu.memory_space<hbm>>, %arg8: memref<79x128xi32, #tpu.memory_space<vmem>>, %arg9: memref<79x128xi32, #tpu.memory_space<vmem>>, %arg10: memref<128x128xf32, #tpu.memory_space<vmem>>, %arg11: memref<10240xf32, #tpu.memory_space<vmem>>, %arg12: memref<10240x128xf32, #tpu.memory_space<vmem_shared>>, %arg13: memref<!tpu.dma_semaphore, #tpu.memory_space<semaphore_mem>>) attributes {dimension_semantics = [#tpu.dimension_semantics<core_parallel>, #tpu.dimension_semantics<subcore_parallel>], iteration_bounds = array<i64: 2, 16>, scalar_prefetch = 0 : i64, scratch_operands = 6 : i64, tpu.core_type = #tpu.core_type<sc_vector_subcore>, window_params = [{transform_indices = #map}, {transform_indices = #map1}, {transform_indices = #map1}, {transform_indices = #map}, {transform_indices = #map1}, {transform_indices = #map}]} {
    %mul3A = arith.constant 2 : i32
    %mul3A_0 = arith.muli %arg1, %mul3A : i32
    %add3A = arith.addi %mul3A_0, %arg0 : i32
    %mul3A_1 = arith.constant 640 : i32
    %mul3A_2 = arith.muli %arg1, %mul3A_1 : i32
    "tpu.region"() ({
      %run_scoped3A = tpu.sem_alloc : memref<!tpu.dma_semaphore, #tpu.memory_space<semaphore_mem>>
      tpu.enqueue_dma source(%arg5 : memref<128x128xf32, #tpu.memory_space<hbm>>) target(%arg10 : memref<128x128xf32, #tpu.memory_space<vmem>>) target_semaphore(%run_scoped3A : memref<!tpu.dma_semaphore, #tpu.memory_space<semaphore_mem>>)
      tpu.wait_dma2 semaphore(%run_scoped3A : memref<!tpu.dma_semaphore, #tpu.memory_space<semaphore_mem>>) src(%arg5 : memref<128x128xf32, #tpu.memory_space<hbm>>) dst(%arg10 : memref<128x128xf32, #tpu.memory_space<vmem>>)
      tpu.yield
    }) : () -> ()
    %add3A_3 = arith.constant 0 : i32
    %add3A_4 = arith.addi %mul3A_2, %add3A_3 : i32
    "tpu.region"() ({
      %run_scoped3A = tpu.sem_alloc : memref<!tpu.dma_semaphore, #tpu.memory_space<semaphore_mem>>
      %dma_start3A = arith.constant 0 : i32
      %dma_start3A_28 = tpu.memref_slice %arg12[%add3A_4, %dma_start3A] : memref<10240x128xf32, #tpu.memory_space<vmem_shared>> -> memref<128x128xf32, #tpu.memory_space<vmem_shared>>
      %dma_start3A_29 = arith.constant 0 : i32
      %dma_start3A_30 = tpu.memref_slice %arg12[%add3A_4, %dma_start3A_29] : memref<10240x128xf32, #tpu.memory_space<vmem_shared>> -> memref<128x128xf32, #tpu.memory_space<vmem_shared>>
      tpu.enqueue_dma source(%arg10 : memref<128x128xf32, #tpu.memory_space<vmem>>) target(%dma_start3A_30 : memref<128x128xf32, #tpu.memory_space<vmem_shared>>) target_semaphore(%run_scoped3A : memref<!tpu.dma_semaphore, #tpu.memory_space<semaphore_mem>>)
      %dma_wait3A = arith.constant 0 : i32
      %dma_wait3A_31 = tpu.memref_slice %arg12[%add3A_4, %dma_wait3A] : memref<10240x128xf32, #tpu.memory_space<vmem_shared>> -> memref<128x128xf32, #tpu.memory_space<vmem_shared>>
      %dma_wait3A_32 = arith.constant 0 : i32
      %dma_wait3A_33 = tpu.memref_slice %arg12[%add3A_4, %dma_wait3A_32] : memref<10240x128xf32, #tpu.memory_space<vmem_shared>> -> memref<128x128xf32, #tpu.memory_space<vmem_shared>>
      tpu.wait_dma2 semaphore(%run_scoped3A : memref<!tpu.dma_semaphore, #tpu.memory_space<semaphore_mem>>) src(%arg10 : memref<128x128xf32, #tpu.memory_space<vmem>>) dst(%dma_wait3A_33 : memref<128x128xf32, #tpu.memory_space<vmem_shared>>)
      tpu.yield
    }) : () -> ()
    %add3A_5 = arith.constant 128 : i32
    %add3A_6 = arith.addi %mul3A_2, %add3A_5 : i32
    "tpu.region"() ({
      %run_scoped3A = tpu.sem_alloc : memref<!tpu.dma_semaphore, #tpu.memory_space<semaphore_mem>>
      %dma_start3A = arith.constant 0 : i32
      %dma_start3A_28 = tpu.memref_slice %arg12[%add3A_6, %dma_start3A] : memref<10240x128xf32, #tpu.memory_space<vmem_shared>> -> memref<128x128xf32, #tpu.memory_space<vmem_shared>>
      %dma_start3A_29 = arith.constant 0 : i32
      %dma_start3A_30 = tpu.memref_slice %arg12[%add3A_6, %dma_start3A_29] : memref<10240x128xf32, #tpu.memory_space<vmem_shared>> -> memref<128x128xf32, #tpu.memory_space<vmem_shared>>
      tpu.enqueue_dma source(%arg10 : memref<128x128xf32, #tpu.memory_space<vmem>>) target(%dma_start3A_30 : memref<128x128xf32, #tpu.memory_space<vmem_shared>>) target_semaphore(%run_scoped3A : memref<!tpu.dma_semaphore, #tpu.memory_space<semaphore_mem>>)
      %dma_wait3A = arith.constant 0 : i32
      %dma_wait3A_31 = tpu.memref_slice %arg12[%add3A_6, %dma_wait3A] : memref<10240x128xf32, #tpu.memory_space<vmem_shared>> -> memref<128x128xf32, #tpu.memory_space<vmem_shared>>
      %dma_wait3A_32 = arith.constant 0 : i32
      %dma_wait3A_33 = tpu.memref_slice %arg12[%add3A_6, %dma_wait3A_32] : memref<10240x128xf32, #tpu.memory_space<vmem_shared>> -> memref<128x128xf32, #tpu.memory_space<vmem_shared>>
      tpu.wait_dma2 semaphore(%run_scoped3A : memref<!tpu.dma_semaphore, #tpu.memory_space<semaphore_mem>>) src(%arg10 : memref<128x128xf32, #tpu.memory_space<vmem>>) dst(%dma_wait3A_33 : memref<128x128xf32, #tpu.memory_space<vmem_shared>>)
      tpu.yield
    }) : () -> ()
    %add3A_7 = arith.constant 256 : i32
    %add3A_8 = arith.addi %mul3A_2, %add3A_7 : i32
    "tpu.region"() ({
      %run_scoped3A = tpu.sem_alloc : memref<!tpu.dma_semaphore, #tpu.memory_space<semaphore_mem>>
      %dma_start3A = arith.constant 0 : i32
      %dma_start3A_28 = tpu.memref_slice %arg12[%add3A_8, %dma_start3A] : memref<10240x128xf32, #tpu.memory_space<vmem_shared>> -> memref<128x128xf32, #tpu.memory_space<vmem_shared>>
      %dma_start3A_29 = arith.constant 0 : i32
      %dma_start3A_30 = tpu.memref_slice %arg12[%add3A_8, %dma_start3A_29] : memref<10240x128xf32, #tpu.memory_space<vmem_shared>> -> memref<128x128xf32, #tpu.memory_space<vmem_shared>>
      tpu.enqueue_dma source(%arg10 : memref<128x128xf32, #tpu.memory_space<vmem>>) target(%dma_start3A_30 : memref<128x128xf32, #tpu.memory_space<vmem_shared>>) target_semaphore(%run_scoped3A : memref<!tpu.dma_semaphore, #tpu.memory_space<semaphore_mem>>)
      %dma_wait3A = arith.constant 0 : i32
      %dma_wait3A_31 = tpu.memref_slice %arg12[%add3A_8, %dma_wait3A] : memref<10240x128xf32, #tpu.memory_space<vmem_shared>> -> memref<128x128xf32, #tpu.memory_space<vmem_shared>>
      %dma_wait3A_32 = arith.constant 0 : i32
      %dma_wait3A_33 = tpu.memref_slice %arg12[%add3A_8, %dma_wait3A_32] : memref<10240x128xf32, #tpu.memory_space<vmem_shared>> -> memref<128x128xf32, #tpu.memory_space<vmem_shared>>
      tpu.wait_dma2 semaphore(%run_scoped3A : memref<!tpu.dma_semaphore, #tpu.memory_space<semaphore_mem>>) src(%arg10 : memref<128x128xf32, #tpu.memory_space<vmem>>) dst(%dma_wait3A_33 : memref<128x128xf32, #tpu.memory_space<vmem_shared>>)
      tpu.yield
    }) : () -> ()
    %add3A_9 = arith.constant 384 : i32
    %add3A_10 = arith.addi %mul3A_2, %add3A_9 : i32
    "tpu.region"() ({
      %run_scoped3A = tpu.sem_alloc : memref<!tpu.dma_semaphore, #tpu.memory_space<semaphore_mem>>
      %dma_start3A = arith.constant 0 : i32
      %dma_start3A_28 = tpu.memref_slice %arg12[%add3A_10, %dma_start3A] : memref<10240x128xf32, #tpu.memory_space<vmem_shared>> -> memref<128x128xf32, #tpu.memory_space<vmem_shared>>
      %dma_start3A_29 = arith.constant 0 : i32
      %dma_start3A_30 = tpu.memref_slice %arg12[%add3A_10, %dma_start3A_29] : memref<10240x128xf32, #tpu.memory_space<vmem_shared>> -> memref<128x128xf32, #tpu.memory_space<vmem_shared>>
      tpu.enqueue_dma source(%arg10 : memref<128x128xf32, #tpu.memory_space<vmem>>) target(%dma_start3A_30 : memref<128x128xf32, #tpu.memory_space<vmem_shared>>) target_semaphore(%run_scoped3A : memref<!tpu.dma_semaphore, #tpu.memory_space<semaphore_mem>>)
      %dma_wait3A = arith.constant 0 : i32
      %dma_wait3A_31 = tpu.memref_slice %arg12[%add3A_10, %dma_wait3A] : memref<10240x128xf32, #tpu.memory_space<vmem_shared>> -> memref<128x128xf32, #tpu.memory_space<vmem_shared>>
      %dma_wait3A_32 = arith.constant 0 : i32
      %dma_wait3A_33 = tpu.memref_slice %arg12[%add3A_10, %dma_wait3A_32] : memref<10240x128xf32, #tpu.memory_space<vmem_shared>> -> memref<128x128xf32, #tpu.memory_space<vmem_shared>>
      tpu.wait_dma2 semaphore(%run_scoped3A : memref<!tpu.dma_semaphore, #tpu.memory_space<semaphore_mem>>) src(%arg10 : memref<128x128xf32, #tpu.memory_space<vmem>>) dst(%dma_wait3A_33 : memref<128x128xf32, #tpu.memory_space<vmem_shared>>)
      tpu.yield
    }) : () -> ()
    %add3A_11 = arith.constant 512 : i32
    %add3A_12 = arith.addi %mul3A_2, %add3A_11 : i32
    "tpu.region"() ({
      %run_scoped3A = tpu.sem_alloc : memref<!tpu.dma_semaphore, #tpu.memory_space<semaphore_mem>>
      %dma_start3A = arith.constant 0 : i32
      %dma_start3A_28 = tpu.memref_slice %arg12[%add3A_12, %dma_start3A] : memref<10240x128xf32, #tpu.memory_space<vmem_shared>> -> memref<128x128xf32, #tpu.memory_space<vmem_shared>>
      %dma_start3A_29 = arith.constant 0 : i32
      %dma_start3A_30 = tpu.memref_slice %arg12[%add3A_12, %dma_start3A_29] : memref<10240x128xf32, #tpu.memory_space<vmem_shared>> -> memref<128x128xf32, #tpu.memory_space<vmem_shared>>
      tpu.enqueue_dma source(%arg10 : memref<128x128xf32, #tpu.memory_space<vmem>>) target(%dma_start3A_30 : memref<128x128xf32, #tpu.memory_space<vmem_shared>>) target_semaphore(%run_scoped3A : memref<!tpu.dma_semaphore, #tpu.memory_space<semaphore_mem>>)
      %dma_wait3A = arith.constant 0 : i32
      %dma_wait3A_31 = tpu.memref_slice %arg12[%add3A_12, %dma_wait3A] : memref<10240x128xf32, #tpu.memory_space<vmem_shared>> -> memref<128x128xf32, #tpu.memory_space<vmem_shared>>
      %dma_wait3A_32 = arith.constant 0 : i32
      %dma_wait3A_33 = tpu.memref_slice %arg12[%add3A_12, %dma_wait3A_32] : memref<10240x128xf32, #tpu.memory_space<vmem_shared>> -> memref<128x128xf32, #tpu.memory_space<vmem_shared>>
      tpu.wait_dma2 semaphore(%run_scoped3A : memref<!tpu.dma_semaphore, #tpu.memory_space<semaphore_mem>>) src(%arg10 : memref<128x128xf32, #tpu.memory_space<vmem>>) dst(%dma_wait3A_33 : memref<128x128xf32, #tpu.memory_space<vmem_shared>>)
      tpu.yield
    }) : () -> ()
    %broadcast_in_dim3A = arith.constant 0.000000e+00 : f32
    %broadcast_in_dim3A_13 = vector.broadcast %broadcast_in_dim3A : f32 to vector<16xf32>
    %scan3A = arith.constant 0 : i32
    %scan3A_14 = arith.constant 0 : i32
    %scan3A_15 = arith.constant 640 : i32
    %scan3A_16 = arith.addi %scan3A_14, %scan3A_15 : i32
    %scan3A_17 = arith.constant 1 : i32
    scf.for %scan3A_28 = %scan3A_14 to %scan3A_16 step %scan3A_17  : i32 {
      %mul3A_29 = arith.constant 16 : i32
      %mul3A_30 = arith.muli %scan3A_28, %mul3A_29 : i32
      %swap3A = arith.index_cast %mul3A_30 : i32 to index
      %swap3A_31 = tpu.vector_load %arg11[%swap3A] {strides = array<i32>} : memref<10240xf32, #tpu.memory_space<vmem>>, vector<16xf32>,
      tpu.vector_store %arg11[%swap3A], %broadcast_in_dim3A_13 {strides = array<i32>} : memref<10240xf32, #tpu.memory_space<vmem>>, vector<16xf32>,
    }
    %scan3A_18 = arith.constant 640 : i32
    "tpu.region"() ({
      %run_scoped3A = tpu.sem_alloc : memref<!tpu.dma_semaphore, #tpu.memory_space<semaphore_mem>>
      %dma_start3A = arith.constant 0 : i32
      %dma_start3A_28 = arith.constant 0 : i32
      %dma_start3A_29 = tpu.memref_slice %arg3[%add3A, %dma_start3A, %dma_start3A_28] : memref<32x79x128xi32, #tpu.memory_space<hbm>> -> memref<1x79x128xi32, #tpu.memory_space<hbm>>
      %dma_start3A_30 = tpu.memref_squeeze %dma_start3A_29 : memref<1x79x128xi32, #tpu.memory_space<hbm>> -> memref<79x128xi32, #tpu.memory_space<hbm>>
      %dma_start3A_31 = arith.constant 0 : i32
      %dma_start3A_32 = arith.constant 0 : i32
      %dma_start3A_33 = tpu.memref_slice %arg3[%add3A, %dma_start3A_31, %dma_start3A_32] : memref<32x79x128xi32, #tpu.memory_space<hbm>> -> memref<1x79x128xi32, #tpu.memory_space<hbm>>
      %dma_start3A_34 = tpu.memref_squeeze %dma_start3A_33 : memref<1x79x128xi32, #tpu.memory_space<hbm>> -> memref<79x128xi32, #tpu.memory_space<hbm>>
      tpu.enqueue_dma source(%dma_start3A_34 : memref<79x128xi32, #tpu.memory_space<hbm>>) target(%arg8 : memref<79x128xi32, #tpu.memory_space<vmem>>) target_semaphore(%run_scoped3A : memref<!tpu.dma_semaphore, #tpu.memory_space<semaphore_mem>>)
      %dma_wait3A = arith.constant 0 : i32
      %dma_wait3A_35 = arith.constant 0 : i32
      %dma_wait3A_36 = tpu.memref_slice %arg3[%add3A, %dma_wait3A, %dma_wait3A_35] : memref<32x79x128xi32, #tpu.memory_space<hbm>> -> memref<1x79x128xi32, #tpu.memory_space<hbm>>
      %dma_wait3A_37 = tpu.memref_squeeze %dma_wait3A_36 : memref<1x79x128xi32, #tpu.memory_space<hbm>> -> memref<79x128xi32, #tpu.memory_space<hbm>>
      %dma_wait3A_38 = arith.constant 0 : i32
      %dma_wait3A_39 = arith.constant 0 : i32
      %dma_wait3A_40 = tpu.memref_slice %arg3[%add3A, %dma_wait3A_38, %dma_wait3A_39] : memref<32x79x128xi32, #tpu.memory_space<hbm>> -> memref<1x79x128xi32, #tpu.memory_space<hbm>>
      %dma_wait3A_41 = tpu.memref_squeeze %dma_wait3A_40 : memref<1x79x128xi32, #tpu.memory_space<hbm>> -> memref<79x128xi32, #tpu.memory_space<hbm>>
      tpu.wait_dma2 semaphore(%run_scoped3A : memref<!tpu.dma_semaphore, #tpu.memory_space<semaphore_mem>>) src(%dma_wait3A_41 : memref<79x128xi32, #tpu.memory_space<hbm>>) dst(%arg8 : memref<79x128xi32, #tpu.memory_space<vmem>>)
      tpu.yield
    }) : () -> ()
    "tpu.region"() ({
      %run_scoped3A = tpu.sem_alloc : memref<!tpu.dma_semaphore, #tpu.memory_space<semaphore_mem>>
      %dma_start3A = arith.constant 0 : i32
      %dma_start3A_28 = arith.constant 0 : i32
      %dma_start3A_29 = tpu.memref_slice %arg4[%add3A, %dma_start3A, %dma_start3A_28] : memref<32x79x128xi32, #tpu.memory_space<hbm>> -> memref<1x79x128xi32, #tpu.memory_space<hbm>>
      %dma_start3A_30 = tpu.memref_squeeze %dma_start3A_29 : memref<1x79x128xi32, #tpu.memory_space<hbm>> -> memref<79x128xi32, #tpu.memory_space<hbm>>
      %dma_start3A_31 = arith.constant 0 : i32
      %dma_start3A_32 = arith.constant 0 : i32
      %dma_start3A_33 = tpu.memref_slice %arg4[%add3A, %dma_start3A_31, %dma_start3A_32] : memref<32x79x128xi32, #tpu.memory_space<hbm>> -> memref<1x79x128xi32, #tpu.memory_space<hbm>>
      %dma_start3A_34 = tpu.memref_squeeze %dma_start3A_33 : memref<1x79x128xi32, #tpu.memory_space<hbm>> -> memref<79x128xi32, #tpu.memory_space<hbm>>
      tpu.enqueue_dma source(%dma_start3A_34 : memref<79x128xi32, #tpu.memory_space<hbm>>) target(%arg9 : memref<79x128xi32, #tpu.memory_space<vmem>>) target_semaphore(%run_scoped3A : memref<!tpu.dma_semaphore, #tpu.memory_space<semaphore_mem>>)
      %dma_wait3A = arith.constant 0 : i32
      %dma_wait3A_35 = arith.constant 0 : i32
      %dma_wait3A_36 = tpu.memref_slice %arg4[%add3A, %dma_wait3A, %dma_wait3A_35] : memref<32x79x128xi32, #tpu.memory_space<hbm>> -> memref<1x79x128xi32, #tpu.memory_space<hbm>>
      %dma_wait3A_37 = tpu.memref_squeeze %dma_wait3A_36 : memref<1x79x128xi32, #tpu.memory_space<hbm>> -> memref<79x128xi32, #tpu.memory_space<hbm>>
      %dma_wait3A_38 = arith.constant 0 : i32
      %dma_wait3A_39 = arith.constant 0 : i32
      %dma_wait3A_40 = tpu.memref_slice %arg4[%add3A, %dma_wait3A_38, %dma_wait3A_39] : memref<32x79x128xi32, #tpu.memory_space<hbm>> -> memref<1x79x128xi32, #tpu.memory_space<hbm>>
      %dma_wait3A_41 = tpu.memref_squeeze %dma_wait3A_40 : memref<1x79x128xi32, #tpu.memory_space<hbm>> -> memref<79x128xi32, #tpu.memory_space<hbm>>
      tpu.wait_dma2 semaphore(%run_scoped3A : memref<!tpu.dma_semaphore, #tpu.memory_space<semaphore_mem>>) src(%dma_wait3A_41 : memref<79x128xi32, #tpu.memory_space<hbm>>) dst(%arg9 : memref<79x128xi32, #tpu.memory_space<vmem>>)
      tpu.yield
    }) : () -> ()
    %barrier3A = arith.constant 0 : index
    tpu.barrier barrier_id(%barrier3A)
    %broadcast_in_dim3A_19 = arith.constant 1.000000e+00 : f32
    %broadcast_in_dim3A_20 = vector.broadcast %broadcast_in_dim3A_19 : f32 to vector<16xf32>
    %scan3A_21 = arith.constant 0 : i32
    %scan3A_22 = arith.constant 0 : i32
    %scan3A_23 = arith.constant 79 : i32
    %scan3A_24 = arith.addi %scan3A_22, %scan3A_23 : i32
    %scan3A_25 = arith.constant 1 : i32
    scf.for %scan3A_28 = %scan3A_22 to %scan3A_24 step %scan3A_25  : i32 {
      %dma_start3A = arith.constant 0 : i32
      %dma_start3A_29 = tpu.memref_slice %arg8[%scan3A_28, %dma_start3A] : memref<79x128xi32, #tpu.memory_space<vmem>> -> memref<1x128xi32, #tpu.memory_space<vmem>>
      %dma_start3A_30 = tpu.memref_squeeze %dma_start3A_29 : memref<1x128xi32, #tpu.memory_space<vmem>> -> memref<128xi32, #tpu.memory_space<vmem>>
      %dma_start3A_31 = arith.constant 0 : i32
      %dma_start3A_32 = arith.constant 0 : i32
      %dma_start3A_33 = tpu.memref_slice %arg2[%dma_start3A_31, %dma_start3A_32] : memref<10240x128xf32, #tpu.memory_space<hbm>> -> memref<10240x128xf32, #tpu.memory_space<hbm>>
      tpu.enqueue_indirect_dma source(%dma_start3A_33 : memref<10240x128xf32, #tpu.memory_space<hbm>>) target(%arg10 : memref<128x128xf32, #tpu.memory_space<vmem>>) offsets(%dma_start3A_30 : memref<128xi32, #tpu.memory_space<vmem>>) semaphore(%arg13 : memref<!tpu.dma_semaphore, #tpu.memory_space<semaphore_mem>>)
      %dma_wait3A = arith.constant 0 : i32
      %dma_wait3A_34 = tpu.memref_slice %arg8[%scan3A_28, %dma_wait3A] : memref<79x128xi32, #tpu.memory_space<vmem>> -> memref<1x128xi32, #tpu.memory_space<vmem>>
      %dma_wait3A_35 = tpu.memref_squeeze %dma_wait3A_34 : memref<1x128xi32, #tpu.memory_space<vmem>> -> memref<128xi32, #tpu.memory_space<vmem>>
      %dma_wait3A_36 = arith.constant 0 : i32
      %dma_wait3A_37 = arith.constant 0 : i32
      %dma_wait3A_38 = tpu.memref_slice %arg2[%dma_wait3A_36, %dma_wait3A_37] : memref<10240x128xf32, #tpu.memory_space<hbm>> -> memref<10240x128xf32, #tpu.memory_space<hbm>>
      tpu.wait_indirect_dma semaphore(%arg13 : memref<!tpu.dma_semaphore, #tpu.memory_space<semaphore_mem>>) src(%dma_wait3A_38 : memref<10240x128xf32, #tpu.memory_space<hbm>>) dst(%arg10 : memref<128x128xf32, #tpu.memory_space<vmem>>)
      "tpu.region"() ({
        %run_scoped3A = tpu.sem_alloc : memref<!tpu.dma_semaphore, #tpu.memory_space<semaphore_mem>>
        %dma_start3A_62 = arith.constant 0 : i32
        %dma_start3A_63 = tpu.memref_slice %arg9[%scan3A_28, %dma_start3A_62] : memref<79x128xi32, #tpu.memory_space<vmem>> -> memref<1x128xi32, #tpu.memory_space<vmem>>
        %dma_start3A_64 = tpu.memref_squeeze %dma_start3A_63 : memref<1x128xi32, #tpu.memory_space<vmem>> -> memref<128xi32, #tpu.memory_space<vmem>>
        %dma_start3A_65 = arith.constant 0 : i32
        %dma_start3A_66 = arith.constant 0 : i32
        %dma_start3A_67 = tpu.memref_slice %arg12[%dma_start3A_65, %dma_start3A_66] : memref<10240x128xf32, #tpu.memory_space<vmem_shared>> -> memref<10240x128xf32, #tpu.memory_space<vmem_shared>>
        tpu.enqueue_indirect_dma source(%arg10 : memref<128x128xf32, #tpu.memory_space<vmem>>) target(%dma_start3A_67 : memref<10240x128xf32, #tpu.memory_space<vmem_shared>>) offsets(%dma_start3A_64 : memref<128xi32, #tpu.memory_space<vmem>>) semaphore(%run_scoped3A : memref<!tpu.dma_semaphore, #tpu.memory_space<semaphore_mem>>) {add = true}
        %dma_wait3A_68 = arith.constant 0 : i32
        %dma_wait3A_69 = tpu.memref_slice %arg9[%scan3A_28, %dma_wait3A_68] : memref<79x128xi32, #tpu.memory_space<vmem>> -> memref<1x128xi32, #tpu.memory_space<vmem>>
        %dma_wait3A_70 = tpu.memref_squeeze %dma_wait3A_69 : memref<1x128xi32, #tpu.memory_space<vmem>> -> memref<128xi32, #tpu.memory_space<vmem>>
        %dma_wait3A_71 = arith.constant 0 : i32
        %dma_wait3A_72 = arith.constant 0 : i32
        %dma_wait3A_73 = tpu.memref_slice %arg12[%dma_wait3A_71, %dma_wait3A_72] : memref<10240x128xf32, #tpu.memory_space<vmem_shared>> -> memref<10240x128xf32, #tpu.memory_space<vmem_shared>>
        tpu.wait_indirect_dma semaphore(%run_scoped3A : memref<!tpu.dma_semaphore, #tpu.memory_space<semaphore_mem>>) src(%arg10 : memref<128x128xf32, #tpu.memory_space<vmem>>) dst(%dma_wait3A_73 : memref<10240x128xf32, #tpu.memory_space<vmem_shared>>)
        tpu.yield
      }) : () -> ()
      %get3A = arith.index_cast %scan3A_28 : i32 to index
      %get3A_39 = arith.constant 0 : index
      %get3A_40 = tpu.vector_load %arg9[%get3A, %get3A_39] {strides = array<i32>} : memref<79x128xi32, #tpu.memory_space<vmem>>, vector<16xi32>,
      tpu.vector_store_idx %arg11[%get3A_40], %broadcast_in_dim3A_20 {add = true} : memref<10240xf32, #tpu.memory_space<vmem>>[vector<16xi32>], vector<16xf32>,
      %get3A_41 = arith.index_cast %scan3A_28 : i32 to index
      %get3A_42 = arith.constant 16 : index
      %get3A_43 = tpu.vector_load %arg9[%get3A_41, %get3A_42] {strides = array<i32>} : memref<79x128xi32, #tpu.memory_space<vmem>>, vector<16xi32>,
      tpu.vector_store_idx %arg11[%get3A_43], %broadcast_in_dim3A_20 {add = true} : memref<10240xf32, #tpu.memory_space<vmem>>[vector<16xi32>], vector<16xf32>,
      %get3A_44 = arith.index_cast %scan3A_28 : i32 to index
      %get3A_45 = arith.constant 32 : index
      %get3A_46 = tpu.vector_load %arg9[%get3A_44, %get3A_45] {strides = array<i32>} : memref<79x128xi32, #tpu.memory_space<vmem>>, vector<16xi32>,
      tpu.vector_store_idx %arg11[%get3A_46], %broadcast_in_dim3A_20 {add = true} : memref<10240xf32, #tpu.memory_space<vmem>>[vector<16xi32>], vector<16xf32>,
      %get3A_47 = arith.index_cast %scan3A_28 : i32 to index
      %get3A_48 = arith.constant 48 : index
      %get3A_49 = tpu.vector_load %arg9[%get3A_47, %get3A_48] {strides = array<i32>} : memref<79x128xi32, #tpu.memory_space<vmem>>, vector<16xi32>,
      tpu.vector_store_idx %arg11[%get3A_49], %broadcast_in_dim3A_20 {add = true} : memref<10240xf32, #tpu.memory_space<vmem>>[vector<16xi32>], vector<16xf32>,
      %get3A_50 = arith.index_cast %scan3A_28 : i32 to index
      %get3A_51 = arith.constant 64 : index
      %get3A_52 = tpu.vector_load %arg9[%get3A_50, %get3A_51] {strides = array<i32>} : memref<79x128xi32, #tpu.memory_space<vmem>>, vector<16xi32>,
      tpu.vector_store_idx %arg11[%get3A_52], %broadcast_in_dim3A_20 {add = true} : memref<10240xf32, #tpu.memory_space<vmem>>[vector<16xi32>], vector<16xf32>,
      %get3A_53 = arith.index_cast %scan3A_28 : i32 to index
      %get3A_54 = arith.constant 80 : index
      %get3A_55 = tpu.vector_load %arg9[%get3A_53, %get3A_54] {strides = array<i32>} : memref<79x128xi32, #tpu.memory_space<vmem>>, vector<16xi32>,
      tpu.vector_store_idx %arg11[%get3A_55], %broadcast_in_dim3A_20 {add = true} : memref<10240xf32, #tpu.memory_space<vmem>>[vector<16xi32>], vector<16xf32>,
      %get3A_56 = arith.index_cast %scan3A_28 : i32 to index
      %get3A_57 = arith.constant 96 : index
      %get3A_58 = tpu.vector_load %arg9[%get3A_56, %get3A_57] {strides = array<i32>} : memref<79x128xi32, #tpu.memory_space<vmem>>, vector<16xi32>,
      tpu.vector_store_idx %arg11[%get3A_58], %broadcast_in_dim3A_20 {add = true} : memref<10240xf32, #tpu.memory_space<vmem>>[vector<16xi32>], vector<16xf32>,
      %get3A_59 = arith.index_cast %scan3A_28 : i32 to index
      %get3A_60 = arith.constant 112 : index
      %get3A_61 = tpu.vector_load %arg9[%get3A_59, %get3A_60] {strides = array<i32>} : memref<79x128xi32, #tpu.memory_space<vmem>>, vector<16xi32>,
      tpu.vector_store_idx %arg11[%get3A_61], %broadcast_in_dim3A_20 {add = true} : memref<10240xf32, #tpu.memory_space<vmem>>[vector<16xi32>], vector<16xf32>,
    }
    %scan3A_26 = arith.constant 79 : i32
    %barrier3A_27 = arith.constant 0 : index
    tpu.barrier barrier_id(%barrier3A_27)
    "tpu.region"() ({
      %run_scoped3A = tpu.sem_alloc : memref<!tpu.dma_semaphore, #tpu.memory_space<semaphore_mem>>
      %dma_start3A = arith.constant 0 : i32
      %dma_start3A_28 = arith.constant 0 : i32
      %dma_start3A_29 = tpu.memref_slice %arg6[%arg0, %dma_start3A, %dma_start3A_28] : memref<2x10240x128xf32, #tpu.memory_space<hbm>> -> memref<1x10240x128xf32, #tpu.memory_space<hbm>>
      %dma_start3A_30 = tpu.memref_squeeze %dma_start3A_29 : memref<1x10240x128xf32, #tpu.memory_space<hbm>> -> memref<10240x128xf32, #tpu.memory_space<hbm>>
      %dma_start3A_31 = arith.constant 0 : i32
      %dma_start3A_32 = tpu.memref_slice %dma_start3A_30[%mul3A_2, %dma_start3A_31] : memref<10240x128xf32, #tpu.memory_space<hbm>> -> memref<640x128xf32, #tpu.memory_space<hbm>>
      %dma_start3A_33 = arith.constant 0 : i32
      %dma_start3A_34 = tpu.memref_slice %arg12[%mul3A_2, %dma_start3A_33] : memref<10240x128xf32, #tpu.memory_space<vmem_shared>> -> memref<640x128xf32, #tpu.memory_space<vmem_shared>>
      tpu.enqueue_dma source(%dma_start3A_34 : memref<640x128xf32, #tpu.memory_space<vmem_shared>>) target(%dma_start3A_32 : memref<640x128xf32, #tpu.memory_space<hbm>>) target_semaphore(%run_scoped3A : memref<!tpu.dma_semaphore, #tpu.memory_space<semaphore_mem>>)
      %dma_wait3A = arith.constant 0 : i32
      %dma_wait3A_35 = arith.constant 0 : i32
      %dma_wait3A_36 = tpu.memref_slice %arg6[%arg0, %dma_wait3A, %dma_wait3A_35] : memref<2x10240x128xf32, #tpu.memory_space<hbm>> -> memref<1x10240x128xf32, #tpu.memory_space<hbm>>
      %dma_wait3A_37 = tpu.memref_squeeze %dma_wait3A_36 : memref<1x10240x128xf32, #tpu.memory_space<hbm>> -> memref<10240x128xf32, #tpu.memory_space<hbm>>
      %dma_wait3A_38 = arith.constant 0 : i32
      %dma_wait3A_39 = tpu.memref_slice %dma_wait3A_37[%mul3A_2, %dma_wait3A_38] : memref<10240x128xf32, #tpu.memory_space<hbm>> -> memref<640x128xf32, #tpu.memory_space<hbm>>
      %dma_wait3A_40 = arith.constant 0 : i32
      %dma_wait3A_41 = tpu.memref_slice %arg12[%mul3A_2, %dma_wait3A_40] : memref<10240x128xf32, #tpu.memory_space<vmem_shared>> -> memref<640x128xf32, #tpu.memory_space<vmem_shared>>
      tpu.wait_dma2 semaphore(%run_scoped3A : memref<!tpu.dma_semaphore, #tpu.memory_space<semaphore_mem>>) src(%dma_wait3A_41 : memref<640x128xf32, #tpu.memory_space<vmem_shared>>) dst(%dma_wait3A_39 : memref<640x128xf32, #tpu.memory_space<hbm>>)
      tpu.yield
    }) : () -> ()
    "tpu.region"() ({
      %run_scoped3A = tpu.sem_alloc : memref<!tpu.dma_semaphore, #tpu.memory_space<semaphore_mem>>
      %dma_start3A = arith.constant 0 : i32
      %dma_start3A_28 = tpu.memref_slice %arg7[%add3A, %dma_start3A] : memref<32x10240xf32, #tpu.memory_space<hbm>> -> memref<1x10240xf32, #tpu.memory_space<hbm>>
      %dma_start3A_29 = tpu.memref_squeeze %dma_start3A_28 : memref<1x10240xf32, #tpu.memory_space<hbm>> -> memref<10240xf32, #tpu.memory_space<hbm>>
      %dma_start3A_30 = arith.constant 0 : i32
      %dma_start3A_31 = tpu.memref_slice %arg7[%add3A, %dma_start3A_30] : memref<32x10240xf32, #tpu.memory_space<hbm>> -> memref<1x10240xf32, #tpu.memory_space<hbm>>
      %dma_start3A_32 = tpu.memref_squeeze %dma_start3A_31 : memref<1x10240xf32, #tpu.memory_space<hbm>> -> memref<10240xf32, #tpu.memory_space<hbm>>
      tpu.enqueue_dma source(%arg11 : memref<10240xf32, #tpu.memory_space<vmem>>) target(%dma_start3A_32 : memref<10240xf32, #tpu.memory_space<hbm>>) target_semaphore(%run_scoped3A : memref<!tpu.dma_semaphore, #tpu.memory_space<semaphore_mem>>)
      %dma_wait3A = arith.constant 0 : i32
      %dma_wait3A_33 = tpu.memref_slice %arg7[%add3A, %dma_wait3A] : memref<32x10240xf32, #tpu.memory_space<hbm>> -> memref<1x10240xf32, #tpu.memory_space<hbm>>
      %dma_wait3A_34 = tpu.memref_squeeze %dma_wait3A_33 : memref<1x10240xf32, #tpu.memory_space<hbm>> -> memref<10240xf32, #tpu.memory_space<hbm>>
      %dma_wait3A_35 = arith.constant 0 : i32
      %dma_wait3A_36 = tpu.memref_slice %arg7[%add3A, %dma_wait3A_35] : memref<32x10240xf32, #tpu.memory_space<hbm>> -> memref<1x10240xf32, #tpu.memory_space<hbm>>
      %dma_wait3A_37 = tpu.memref_squeeze %dma_wait3A_36 : memref<1x10240xf32, #tpu.memory_space<hbm>> -> memref<10240xf32, #tpu.memory_space<hbm>>
      tpu.wait_dma2 semaphore(%run_scoped3A : memref<!tpu.dma_semaphore, #tpu.memory_space<semaphore_mem>>) src(%arg11 : memref<10240xf32, #tpu.memory_space<vmem>>) dst(%dma_wait3A_37 : memref<10240xf32, #tpu.memory_space<hbm>>)
      tpu.yield
    }) : () -> ()
    return
  }
}

module attributes {stable_mosaic.version = 14 : i64} {
  func.func @body(%arg0: i32, %arg1: memref<2x1024x128xf32, #tpu.memory_space<vmem>>, %arg2: memref<1024x32xf32, #tpu.memory_space<vmem>>, %arg3: memref<1024x128xf32, #tpu.memory_space<vmem>>, %arg4: memref<128x128xf32, #tpu.memory_space<vmem>>, %arg5: memref<1x128xf32, #tpu.memory_space<vmem>>, %arg6: memref<1024x128xf32, #tpu.memory_space<vmem>>) attributes {dimension_semantics = [#tpu.dimension_semantics<arbitrary>], iteration_bounds = array<i64: 10>, scalar_prefetch = 0 : i64, scratch_operands = 0 : i64, tpu.core_type = #tpu.core_type<tc>, window_params = [{transform_indices = @transform_0, window_bounds = array<i64: 2, 1024, 128>}, {transform_indices = @transform_1, window_bounds = array<i64: 1024, 32>}, {transform_indices = @transform_2, window_bounds = array<i64: 1024, 128>}, {pipeline_mode = #tpu.pipeline_mode<synchronous>, transform_indices = @transform_3, window_bounds = array<i64: 128, 128>}, {pipeline_mode = #tpu.pipeline_mode<synchronous>, transform_indices = @transform_4, window_bounds = array<i64: 1, 128>}, {transform_indices = @transform_5, window_bounds = array<i64: 1024, 128>}]} {
    %get3A = arith.constant 0 : index
    %get3A_0 = arith.constant 0 : index
    %get3A_1 = arith.constant 0 : index
    %get3A_2 = vector.load %arg1[%get3A, %get3A_0, %get3A_1] : memref<2x1024x128xf32, #tpu.memory_space<vmem>>, vector<1x1024x128xf32>
    %get3A_3 = vector.shape_cast %get3A_2 : vector<1x1024x128xf32> to vector<1024x128xf32>
    %get3A_4 = arith.constant 1 : index
    %get3A_5 = arith.constant 0 : index
    %get3A_6 = arith.constant 0 : index
    %get3A_7 = vector.load %arg1[%get3A_4, %get3A_5, %get3A_6] : memref<2x1024x128xf32, #tpu.memory_space<vmem>>, vector<1x1024x128xf32>
    %get3A_8 = vector.shape_cast %get3A_7 : vector<1x1024x128xf32> to vector<1024x128xf32>
    %add3A = arith.addf %get3A_3, %get3A_8 : vector<1024x128xf32>
    %get3A_9 = arith.constant 0 : index
    %get3A_10 = arith.constant 0 : index
    %get3A_11 = vector.load %arg2[%get3A_9, %get3A_10] : memref<1024x32xf32, #tpu.memory_space<vmem>>, vector<1024x32xf32>
    %reduce_sum3A = arith.constant dense<0.000000e+00> : vector<1024xf32>
    %reduce_sum3A_12 = vector.multi_reduction <add>, %get3A_11, %reduce_sum3A [1] : vector<1024x32xf32> to vector<1024xf32>
    %broadcast_in_dim3A = vector.shape_cast %reduce_sum3A_12 : vector<1024xf32> to vector<1024x1xf32>
    %gt3A = arith.constant 0.000000e+00 : f32
    %gt3A_13 = vector.broadcast %gt3A : f32 to vector<1024x1xf32>
    %gt3A_14 = arith.cmpf ogt, %broadcast_in_dim3A, %gt3A_13 : vector<1024x1xf32>
    %max3A = arith.constant 1.000000e+00 : f32
    %max3A_15 = vector.broadcast %max3A : f32 to vector<1024x1xf32>
    %max3A_16 = arith.maximumf %broadcast_in_dim3A, %max3A_15 : vector<1024x1xf32>
    %div3A = vector.broadcast %max3A_16 : vector<1024x1xf32> to vector<1024x128xf32>
    %div3A_17 = arith.divf %add3A, %div3A : vector<1024x128xf32>
    %get3A_18 = arith.constant 0 : index
    %get3A_19 = arith.constant 0 : index
    %get3A_20 = vector.load %arg3[%get3A_18, %get3A_19] : memref<1024x128xf32, #tpu.memory_space<vmem>>, vector<1024x128xf32>
    %broadcast_in_dim3A_21 = vector.shape_cast %gt3A_14 : vector<1024x1xi1> to vector<1024x1xi1>
    %broadcast_in_dim3A_22 = vector.broadcast %broadcast_in_dim3A_21 : vector<1024x1xi1> to vector<1024x128xi1>
    %select_n3A = arith.select %broadcast_in_dim3A_22, %div3A_17, %get3A_20 : vector<1024x128xi1>, vector<1024x128xf32>
    %get3A_23 = arith.constant 0 : index
    %get3A_24 = arith.constant 0 : index
    %get3A_25 = vector.load %arg4[%get3A_23, %get3A_24] : memref<128x128xf32, #tpu.memory_space<vmem>>, vector<128x128xf32>
    %dot_general3A = arith.constant dense<0.000000e+00> : vector<1024x128xf32>
    %dot_general3A_26 = tpu.matmul %select_n3A, %get3A_25, %dot_general3A {dimension_numbers = #tpu.dot_dimension_numbers<[1], [0], [0], [1], [0, 0, 1, 1], [], []>, transpose_lhs_hint = false} : vector<1024x128xf32>, vector<128x128xf32>, vector<1024x128xf32> -> vector<1024x128xf32>
    %get3A_27 = arith.constant 0 : index
    %get3A_28 = arith.constant 0 : index
    %get3A_29 = vector.load %arg5[%get3A_27, %get3A_28] : memref<1x128xf32, #tpu.memory_space<vmem>>, vector<1x128xf32>
    %add3A_30 = vector.broadcast %get3A_29 : vector<1x128xf32> to vector<1024x128xf32>
    %add3A_31 = arith.addf %dot_general3A_26, %add3A_30 : vector<1024x128xf32>
    %max3A_32 = arith.constant 0.000000e+00 : f32
    %max3A_33 = vector.broadcast %max3A_32 : f32 to vector<1024x128xf32>
    %max3A_34 = arith.maximumf %add3A_31, %max3A_33 : vector<1024x128xf32>
    %swap3A = arith.constant 0 : index
    %swap3A_35 = arith.constant 0 : index
    %swap3A_36 = vector.load %arg6[%swap3A, %swap3A_35] : memref<1024x128xf32, #tpu.memory_space<vmem>>, vector<1024x128xf32>
    tpu.vector_store %arg6[%swap3A, %swap3A_35], %max3A_34 {strides = array<i32>} : memref<1024x128xf32, #tpu.memory_space<vmem>>, vector<1024x128xf32>,
    return
  }
  func.func @transform_0(%arg0: i32) -> (i32, i32, i32) {
    %c0_i32 = arith.constant 0 : i32
    %c0_i32_0 = arith.constant 0 : i32
    %c0_i32_1 = arith.constant 0 : i32
    return %c0_i32, %arg0, %c0_i32_0 : i32, i32, i32
  }
  func.func @transform_1(%arg0: i32) -> (i32, i32) {
    %c0_i32 = arith.constant 0 : i32
    %c0_i32_0 = arith.constant 0 : i32
    return %arg0, %c0_i32 : i32, i32
  }
  func.func @transform_2(%arg0: i32) -> (i32, i32) {
    %c0_i32 = arith.constant 0 : i32
    %c0_i32_0 = arith.constant 0 : i32
    return %arg0, %c0_i32 : i32, i32
  }
  func.func @transform_3(%arg0: i32) -> (i32, i32) {
    %c0_i32 = arith.constant 0 : i32
    %c0_i32_0 = arith.constant 0 : i32
    %c0_i32_1 = arith.constant 0 : i32
    return %c0_i32, %c0_i32_0 : i32, i32
  }
  func.func @transform_4(%arg0: i32) -> (i32, i32) {
    %c0_i32 = arith.constant 0 : i32
    %c0_i32_0 = arith.constant 0 : i32
    %c0_i32_1 = arith.constant 0 : i32
    return %c0_i32, %c0_i32_0 : i32, i32
  }
  func.func @transform_5(%arg0: i32) -> (i32, i32) {
    %c0_i32 = arith.constant 0 : i32
    %c0_i32_0 = arith.constant 0 : i32
    return %arg0, %c0_i32 : i32, i32
  }
}

</mosaic_0001>

<sc_bundles>
// kernel: kernel.4.cloned.1.call-start
scs
__scs_entry_jumppad:
0x0: {  	(pc) =	sbr.rel $0x88, $3  }
0x1: {  	(tag) =	ssettag $0x0;
	lr =	simm.s32 $0x1  }
0x2: {  	[smem:$0x3F9D] =	sst lr;
	_ =	strace $0xD0000000  }
0x3: {  	_ = 	snop  }
0x4: {  	_ = 	snop  }
0x5: {  	_ = 	snop  }
0x6: {  	_ = 	snop  }
0x7: {  	_ = 	snop  }
__scs_overlays_trampoline_lowered:
0x8: {  	[smem:$0x3FAC] =	sst s0  }
0x9: {  	[smem:$0x3FAD] =	sst s1  }
0xa: {  	[smem:$0x3FAE] =	sst s2  }
0xb: {  	[smem:$0x3FAF] =	sst s3  }
0xc: {  	[smem:$0x3FB0] =	sst s4  }
0xd: {  	[smem:$0x3FB1] =	sst s5  }
0xe: {  	[smem:$0x3FB2] =	sst s6  }
0xf: {  	[smem:$0x3FB3] =	sst s7  }
0x10: {  	[smem:$0x3FB4] =	sst s8  }
0x11: {  	[smem:$0x3FB5] =	sst s9;
	s0 =	simm.s32 @!p0 $0x0  }
0x12: {  	s1 =	sld [smem:$0x3F9B];
	s0 =	simm.s32 @p0 $0x1  }
0x13: {  	[smem:$0x3FB6] =	sst s0;
	s0 =	simm.s32 @!p1 $0x0  }
0x14: {  	s2 =	sld [smem:$0x3F9A];
	s0 =	simm.s32 @p1 $0x1  }
0x15: {  	[smem:$0x3FB7] =	sst s0;
	s0 =	simm.s32 @!p2 $0x0  }
0x16: {  	s3 =	sld [smem:$0x3FDB];
	s0 =	simm.s32 @p2 $0x1  }
0x17: {  	s4 =	simm.s32 $0x1BF5;
	[smem:$0x3FB9] =	sst s0  }
0x18: {  	s0 =	sld [smem:$0x3F9C];
	_ =	swait.ge [sflag:s4], $0x0  }
0x19: {  	s7 =	sld [smem:$0x3F9D]  }
0x1a: {  	s8 =	sadd.s32 $0xFFFFE003, lr  }
0x1b: {  	s9 =	sadd.s32 $0xFFFFFEF7, lr;
	s5 =	simm.s32 $0xFFFFFFFF;
	p2 =	slt.u32 s8, $0xFFFFF086  }
0x1c: {  	p1 =	slt.u32 s9, $0xF7A;
	s5 =	simm.s32 @!p2 $0x0  }
0x1d: {  	s5 =	simm.s32 @p1 $0x1;
	p0 =	seq.s32 s7, s2  }
0x1e: {  	s7 =	smul.u32 @!p0 $0xF7A, s2;
	p2 =	seq.s32 @!p0 s5, $0x0  }
0x1f: {  	s9 =	smul.u32 $0xF7A, s1;
	s8 =	simm.s32 @!p0 $0x1BF5;
	p2 =	por !p2, p0  }
0x20: {  	[sflag:s8] =	ssyncset.s32 @!p0 $0xFFFFF086;
	s6 =	sadd.s32 @!p0 s3, s7;
	s7 =	simm.s32 @!p0 $0x108  }
0x21: {  	s3 =	sadd.s32 s3, s9;
	s6 =	sadd.s32 @!p0 $0x88, s6;
	s7 =	simm.s32 @p2 $0x1082  }
0x22: {  	[simem:s7], [sflag:s8] =	dma.local @!p0 [hbm:s6], $0xF7A  }
0x23: {  	s9 =	sor.u32 $0xD0000000, s2;
	s6 =	simm.s32 $0x108;
	_ =	swait.ge @!p0 [sflag:s8], $0x0  }
0x24: {  	s3 =	sadd.s32 $0x88, s3;
	s6 =	simm.s32 @!p1 $0x1082;
	[sflag:s4] =	ssyncset.s32 $0xFFFFF086  }
0x25: {  	[simem:s6], [sflag:s4] =	dma.local [hbm:s3], $0xF7A  }
0x26: {  	[smem:$0x3F9D] =	sst s1;
	(tag) =	ssettag s2;
	_ =	strace s9  }
0x27: {  	s1 =	sld [smem:$0x3FAD]  }
0x28: {  	s2 =	sld [smem:$0x3FAE]  }
0x29: {  	s4 =	sld [smem:$0x3FB0]  }
0x2a: {  	p0 =	seq.s32 s5, $0x0;
	s5 =	sld [smem:$0x3FB1]  }
0x2b: {  	s6 =	sld [smem:$0x3FB2]  }
0x2c: {  	s7 =	sld [smem:$0x3FB3]  }
0x2d: {  	s3 =	simm.s32 $0x108;
	s8 =	sld [smem:$0x3FB4]  }
0x2e: {  	s3 =	simm.s32 @!p0 $0x1082;
	s9 =	sld [smem:$0x3FB5]  }
0x2f: {  	lr =	sadd.s32 s0, s3;
	s0 =	sld [smem:$0x3FAC]  }
0x30: {  	s3 =	sld [smem:$0x3FAF]  }
0x31: {  	[smem:$0x3FB8] =	sst s10  }
0x32: {  	s10 =	sld [smem:$0x3FB6];
	_ =	sdelay $0x3  }
0x33: {  	p0 =	seq.s32 s10, $0x1;
	s10 =	sld [smem:$0x3FB8];
	_ =	sdelay $0x3  }
0x34: {  	[smem:$0x3FB8] =	sst s10  }
0x35: {  	s10 =	sld [smem:$0x3FB7];
	_ =	sdelay $0x3  }
0x36: {  	p1 =	seq.s32 s10, $0x1;
	s10 =	sld [smem:$0x3FB8];
	_ =	sdelay $0x3  }
0x37: {  	[smem:$0x3FB8] =	sst s10  }
0x38: {  	s10 =	sld [smem:$0x3FB9]  }
0x39: {  	_ = 	snop;
	(pc) =	sbr.ind lr, $3  }
0x3a: {  	_ = 	snop  }
0x3b: {  	_ = 	snop  }
0x3c: {  	p2 =	seq.s32 s10, $0x1;
	s10 =	sld [smem:$0x3FB8]  }
0x3d: {  	_ =	shalt  }
0x3e: {  	_ =	shalt  }
0x3f: {  	_ =	shalt  }
0x40: {  	_ =	shalt  }
0x41: {  	_ =	shalt  }
0x42: {  	_ =	shalt  }
0x43: {  	_ =	shalt  }
0x44: {  	_ =	shalt  }
0x45: {  	_ =	shalt  }
0x46: {  	_ =	shalt  }
0x47: {  	_ =	shalt  }
0x48: {  	_ =	shalt  }
0x49: {  	_ =	shalt  }
0x4a: {  	_ =	shalt  }
0x4b: {  	_ =	shalt  }
0x4c: {  	_ =	shalt  }
0x4d: {  	_ =	shalt  }
0x4e: {  	_ =	shalt  }
0x4f: {  	_ =	shalt  }
0x50: {  	_ =	shalt  }
0x51: {  	_ =	shalt  }
0x52: {  	_ =	shalt  }
0x53: {  	_ =	shalt  }
0x54: {  	_ =	shalt  }
0x55: {  	_ =	shalt  }
0x56: {  	_ =	shalt  }
0x57: {  	_ =	shalt  }
0x58: {  	_ =	shalt  }
0x59: {  	_ =	shalt  }
0x5a: {  	_ =	shalt  }
0x5b: {  	_ =	shalt  }
0x5c: {  	_ =	shalt  }
0x5d: {  	_ =	shalt  }
0x5e: {  	_ =	shalt  }
0x5f: {  	_ =	shalt  }
0x60: {  	_ =	shalt  }
0x61: {  	_ =	shalt  }
0x62: {  	_ =	shalt  }
0x63: {  	_ =	shalt  }
0x64: {  	_ =	shalt  }
0x65: {  	_ =	shalt  }
0x66: {  	_ =	shalt  }
0x67: {  	_ =	shalt  }
0x68: {  	_ =	shalt  }
0x69: {  	_ =	shalt  }
0x6a: {  	_ =	shalt  }
0x6b: {  	_ =	shalt  }
0x6c: {  	_ =	shalt  }
0x6d: {  	_ =	shalt  }
0x6e: {  	_ =	shalt  }
0x6f: {  	_ =	shalt  }
0x70: {  	_ =	shalt  }
0x71: {  	_ =	shalt  }
0x72: {  	_ =	shalt  }
0x73: {  	_ =	shalt  }
0x74: {  	_ =	shalt  }
0x75: {  	_ =	shalt  }
0x76: {  	_ =	shalt  }
0x77: {  	_ =	shalt  }
0x78: {  	_ =	shalt  }
0x79: {  	_ =	shalt  }
0x7a: {  	_ =	shalt  }
0x7b: {  	_ =	shalt  }
0x7c: {  	_ =	shalt  }
0x7d: {  	_ =	shalt  }
0x7e: {  	_ =	shalt  }
0x7f: {  	_ =	shalt  }
0x80: {  	_ =	shalt  }
0x81: {  	_ =	shalt  }
0x82: {  	_ =	shalt  }
0x83: {  	_ =	shalt  }
0x84: {  	_ =	shalt  }
0x85: {  	_ =	shalt  }
0x86: {  	_ =	shalt  }
0x87: {  	_ =	shalt  }
.Lfunc_end0:
.L_simem_size_0:
called_computation_lowered:
.L_overlay_start_0:
0x88: {  	s2 =	sld [smem:$0x3FD9]  }
0x89: {  	s3 =	sld [smem:$0x3FFE];
	_ =	sdelay $0x1  }
0x8a: {  	s1 =	srdreg.scid  }
0x8b: {  	s0 =	sand.u32 $0x1, s1  }
0x8c: {  	s17 =	sshll.u32 s0, $0xA;
	s2 =	sadd.s32 s3, s2  }
0x8d: {  	s2 =	sadd.s32 s2, s17  }
0x8e: {  	[smem:$0x3FC4] =	sst s2  }
0x8f: {  	_ = 	snop  }
0x90: {  	s2 =	sld [smem:$0x3FD0];
	(tm) =	ssettm $0x1  }
0x91: {  	s18 =	sld [smem:$0x3FFB];
	_ =	sdelay $0x3  }
0x92: {  	_ =	strace s18  }
0x93: {  	s3 =	sld [smem:$0x3FFC];
	_ =	sdelay $0x3  }
0x94: {  	_ =	strace s3  }
0x95: {  	s3 =	sld [smem:$0x3FFD];
	_ =	sdelay $0x3  }
0x96: {  	_ =	strace s3  }
0x97: {  	_ =	strace $0x8FFFFFFF  }
0x98: {  	s19 =	sld [smem:$0x3FDB];
	_ =	sdelay $0x1  }
0x99: {  	s4 =	simm.s32 $_scs_section_size  }
0x9a: {  	s5 =	simm.s32 $_size__tile_overlayer_lowered;
	s6 =	simm.s32 $_tile_overlayer_lowered  }
0x9b: {  	s22 =	simm.s32 $0x1BFF;
	s21 =	sshll.u32 s6, $0x1;
	s3 =	sadd.s32 s4, s19  }
0x9c: {  	s7 =	simm.s32 $0x0;
	s20 =	sshll.u32 s5, $0x1;
	s5 =	sadd.s32 s21, s3  }
0x9d: {  	[timem:s7], [sflag:s22] =	dma.local [hbm:s5], s20  }
0x9e: {  	_ =	swait.ge [sflag:s22], s20  }
0x9f: {  	s4 =	ssub.s32 $0x0, s20;
	[sflag:s22] =	ssyncset.done $0x0  }
0xa0: {  	[sflag:s22] =	ssyncadd.s32 s4;
	_ =	sdelay $0x1  }
0xa1: {  	s23 =	simm.s32 $0x1B8B  }
0xa2: {  	_ =	swait.ge [sflag:s23], $0x1  }
0xa3: {  	[sflag:s23] =	ssyncset.done $0x0  }
0xa4: {  	s25 =	simm.s32 $0x1B8E;
	s24 =	sld [smem:$0x3FFE];
	[sflag:s23] =	ssyncadd.s32 $0xFFFFFFFF  }
0xa5: {  	s26 =	simm.s32 $execute0_lowered;
	[smem:$0x3FD2] =	sst s25  }
0xa6: {  	s5 =	sshll.u32 s26, $0x1;
	_ =	strace $0x80000046;
	[dreg:$0x1] =	wrdreg $0xFFFFFFFF  }
0xa7: {  	s28 =	simm.s32 $_size_execute0_lowered;
	s3 =	sadd.s32 s3, s5;
	[dreg:$0x0] =	wrdreg $0x0  }
0xa8: {  	s5 =	sshll.u32 s28, $0x1;
	[dreg:$0x2] =	wrdreg s3  }
0xa9: {  	[dreg:$0x3] =	wrdreg s5  }
0xaa: {  	[dreg:$0x4] =	wrdreg $0xC0  }
0xab: {  	_ =	task [dreg:s7], $0x5FFFF  }
0xac: {  	[dreg:$0x1] =	wrdreg $0xFFFFFFFF  }
0xad: {  	[dreg:$0x0] =	wrdreg $0x60  }
0xae: {  	[dreg:$0x2] =	wrdreg s24  }
0xaf: {  	[dreg:$0x3] =	wrdreg s2  }
0xb0: {  	[dreg:$0x4] =	wrdreg $0xB8000  }
0xb1: {  	[dreg:$0x5] =	wrdreg $0x9  }
0xb2: {  	_ =	task.clear_ibuf [dreg:s7], $0x6FFFF;
	_ =	strace $0x90000046  }
0xb3: {  	s29 =	simm.s32 $0x9;
	_ =	strace $0x80000048  }
0xb4: {  	_ =	swait.ge [sflag:s29], $0x1  }
0xb5: {  	[sflag:s29] =	ssyncadd.s32 $0xFFFFFFFF  }
0xb6: {  	_ =	strace $0x90000048  }
0xb7: {  	_ =	sfence  }
0xb8: {  	s30 =	sld [smem:$0x0];
	_ =	sdelay $0x2  }
0xb9: {  	s31 =	sshll.u32 s1, $0xD;
	s1 =	sshrl.u32 s1, $0x2  }
0xba: {  	s3 =	sand.u32 $0x4000, s31;
	s1 =	sadd.s32 s1, s30  }
0xbb: {  	s0 =	sor.u32 s3, s0;
	s1 =	sshll.u32 s1, $0x11  }
0xbc: {  	s0 =	sor.u32 s1, s0  }
0xbd: {  	s0 =	sadd.s32 $0x8F2B, s0  }
0xbe: {  	[sflag:s0] =	ssyncadd.remote.s32 $0x1  }
0xbf: {  	_ =	sfence.sel $0xFFFF  }
0xc0: {  	[dreg:$0x0] =	wrdreg $0xFFFFFFFF;
	(pc) =	sbr.abs _section_cstart, $3  }
0xc1: {  	[dreg:$0x1] =	wrdreg $0xFFFFFFFF  }
0xc2: {  	_ =	task.clear_ibuf [dreg:s7], $0x2FFFF;
	_ =	strace $0x9FFFFFFF  }
0xc3: {  	(tm) =	ssettm $0x7FFFFFFF  }
tec
execute0_lowered:
.L_overlay_start_1:
0x0: {  	(tag) =	ssettag $0x1  }
0x1: {  	s7 =	rddreg [dreg:$0x0]  }
0x2: {  	s1 =	srdreg.scid;
	s11 =	rddreg [dreg:$0x1]  }
0x3: {  	s0 =	stileid.u32;
	s2 =	rddreg [dreg:$0x2]  }
0x4: {  	s3 =	simm.s32 $0x0;
	s17 =	simm.s32 $0x2800;
	s18 =	simm.s32 $0x80  }
0x5: {  	s19 =	simm.s32 $0x1;
	s20 =	simm.s32 $0x9000;
	s24 =	simm.s32 $0x400  }
0x6: {  	s6 =	sand.u32 $0x1, s1;
	s25 =	sshll.u32 s0, $0x1;
	s1 =	rddreg [dreg:$0x3]  }
0x7: {  	[smem:$0x7FF] =	sst s3;
	s9 =	sshrl.u32 s0, $0x2;
	s14 =	smul.u32 $0x50000, s0  }
0x8: {  	s4 =	sadd.s32 $0xAE00, s7;
	s22 =	smul.u32 $0x2800, s0;
	s23 =	sshll.u32 s0, $0x6  }
0x9: {  	s5 =	sor.u32 s6, s25;
	s8 =	smul.u32 $0x28000, s6;
	_ =	strace $0x80000047  }
0xa: {  	s9 =	smul.u32 $0x14000, s9;
	s28 =	ssub.s32 $0x2, s6;
	s25 =	simm.s32 $0x0  }
0xb: {  	s12 =	smul.u32 $0x500, s5;
	s10 =	sshll.u32 s5, $0x7;
	s5 =	sadd.s32 $0x32E00, s7  }
0xc: {  	s29 =	sshrl.u32 s14, $0x2;
	s30 =	sshrl.u32 s28, $0x1;
	s15 =	sadd.s32 s8, s7  }
0xd: {  	s26 =	sand.u32 $0x380, s10;
	s6 =	sadd.s32 s29, s2;
	s16 =	ssub.s32 s28, s30  }
0xe: {  	s13 =	sadd.s32 s12, s7;
	s8 =	sor.u32 s9, s26;
	s9 =	sadd.s32 $0xC000, s6  }
0xf: {  	s10 =	sadd.s32 $0x10000, s6;
	s11 =	sadd.s32 s11, s12;
	s21 =	sadd.s32 $0x3D600, s15  }
0x10: {  	s14 =	smax.u32 s16, $0x1;
	s15 =	simm.s32 $0x5000;
	s16 =	simm.s32 $0x2  }
0x11: {  	s8 =	sshrl.u32 s8, $0x3;
	s12 =	sadd.s32 $0xE00, s13;
	s21 =	sadd.s32 s22, s21  }
0x12: {  	s22 =	sor.u32 $0x1C02, s23;
	s23 =	sshrl.u32 s6, $0x3;
	s31 =	sadd.s32 s8, s7  }
0x13: {  	v0 =	vimm.f32 $0.0e+00;
	v1 =	vimm.f32 $1.000000000e+00;
	s7 =	sadd.s32 $0x4000, s6;
	s8 =	sadd.s32 $0x8000, s6;
	s13 =	sadd.s32 $0x33600, s31  }
.LBB2_1:
0x14: {  	[tilespmem:s15], [sflag:$0x2] =	stream.linear.gather [hbm4b:s5+s3], $0x4000, $0x38;
	[tilespmem:$0x1F800] =	vst v63  }
0x15: {  	_ =	swait.ge [sflag:s16], $0x4000  }
0x16: {  	[sflag:s16] =	ssyncset.done $0x0  }
0x17: {  	[sflag:s16] =	ssyncadd.s32 $0xFFFFC000  }
0x18: {  	[spmem:s6] =	stream.linear.scatter [tilespmem:s15], [sflag:$0x2], $0x4000, $0x38;
	[tilespmem:$0x1F800] =	vst v63  }
0x19: {  	_ =	swait.ge [sflag:s16], $0x4000  }
0x1a: {  	[sflag:s16] =	ssyncset.done $0x0  }
0x1b: {  	[sflag:s16] =	ssyncadd.s32 $0xFFFFC000  }
0x1c: {  	[spmem:s7] =	stream.linear.scatter [tilespmem:s15], [sflag:$0x2], $0x4000, $0x38;
	[tilespmem:$0x1F800] =	vst v63  }
0x1d: {  	_ =	swait.ge [sflag:s16], $0x4000  }
0x1e: {  	[sflag:s16] =	ssyncset.done $0x0  }
0x1f: {  	[sflag:s16] =	ssyncadd.s32 $0xFFFFC000  }
0x20: {  	[spmem:s8] =	stream.linear.scatter [tilespmem:s15], [sflag:$0x2], $0x4000, $0x38;
	[tilespmem:$0x1F800] =	vst v63  }
0x21: {  	_ =	swait.ge [sflag:s16], $0x4000  }
0x22: {  	[sflag:s16] =	ssyncset.done $0x0  }
0x23: {  	[sflag:s16] =	ssyncadd.s32 $0xFFFFC000  }
0x24: {  	[spmem:s9] =	stream.linear.scatter [tilespmem:s15], [sflag:$0x2], $0x4000, $0x38;
	[tilespmem:$0x1F800] =	vst v63  }
0x25: {  	_ =	swait.ge [sflag:s16], $0x4000  }
0x26: {  	[sflag:s16] =	ssyncset.done $0x0  }
0x27: {  	[sflag:s16] =	ssyncadd.s32 $0xFFFFC000  }
0x28: {  	[spmem:s10] =	stream.linear.scatter [tilespmem:s15], [sflag:$0x2], $0x4000, $0x38;
	[tilespmem:$0x1F800] =	vst v63  }
0x29: {  	_ =	swait.ge [sflag:s16], $0x4000  }
0x2a: {  	[sflag:s16] =	ssyncset.done $0x0  }
0x2b: {  	s26 =	simm.s32 $0x40;
	s28 =	simm.s32 $0x0;
	[sflag:s16] =	ssyncadd.s32 $0xFFFFC000  }
.LBB2_2:
0x2c: {  	p0 =	sne.s32 s26, $0x9FC0;
	[tilespmem:s28+$0x9000] =	vst v0;
	s28 =	smov.u32 s26;
	s26 =	sadd.s32 $0x40, s26  }
.Ltmp0:
0x2d: {  	(pc) =	sbr.rel @p0 .LBB2_2-.Ltmp0, $2  }
0x2e: {  	_ =	sdelay $0x2  }
0x2f: {  	s28 =	sshra.s32 s28, $0x2  }
0x30: {  	[tilespmem:s28+$0x9000] =	vst v0;
	s26 =	simm.s32 $0x0  }
0x31: {  	[tilespmem:s26], [sflag:$0x2] =	stream.linear.gather [hbm4b:s11+s26], $0x2780, $0x38;
	[tilespmem:$0x1F800] =	vst v63  }
0x32: {  	_ =	swait.ge [sflag:s16], $0x2780  }
0x33: {  	[sflag:s16] =	ssyncset.done $0x0  }
0x34: {  	[sflag:s16] =	ssyncadd.s32 $0xFFFFD880  }
0x35: {  	[tilespmem:s17], [sflag:$0x2] =	stream.linear.gather [hbm4b:s12+s26], $0x2780, $0x38;
	[tilespmem:$0x1F800] =	vst v63  }
0x36: {  	_ =	swait.ge [sflag:s16], $0x2780  }
0x37: {  	[sflag:s16] =	ssyncset.done $0x0  }
0x38: {  	[sflag:s16] =	ssyncadd.s32 $0xFFFFD880  }
0x39: {  	[bflag:$0x0] =	sbarrier.arrive $0xFFFF  }
.LBB2_4:
0x3a: {  	s28 =	sshra.s32 s26, $0x2  }
0x3b: {  	[tilespmem:s15], [sflag:$0x1] =	stream.indirect.gather [hbm4b:s4+s18], $0x80, s28, s18, $0xb8;
	[tilespmem:$0x1F800] =	vst v63  }
0x3c: {  	_ =	swait.ge [sflag:s19], $0x4000  }
0x3d: {  	[sflag:s19] =	ssyncset.done $0x0  }
0x3e: {  	s29 =	sadd.s32 $0x2800, s28;
	[sflag:s19] =	ssyncadd.s32 $0xFFFFC000  }
0x3f: {  	[spmem:s2] =	stream.indirect.scatter.add.f32 [tilespmem:s15], [sflag:$0x2], $0x80, s29, s18, $0xb8;
	[tilespmem:$0x1F800] =	vst v63  }
0x40: {  	_ =	swait.ge [sflag:s16], $0x4000  }
0x41: {  	[sflag:s16] =	ssyncset.done $0x0  }
0x42: {  	[sflag:s16] =	ssyncadd.s32 $0xFFFFC000  }
0x43: {  	v2 =	vld [tilespmem:s28+$0x2800];
	_ =	sdelay $0x7  }
0x44: {  	[tilespmem:v2+s20+$0x0] =	vst.idx.add.f32.msk $0xffff, v1  }
0x45: {  	v2 =	vld [tilespmem:s28+$0x2810];
	_ =	sdelay $0x7  }
0x46: {  	[tilespmem:v2+s20+$0x0] =	vst.idx.add.f32.msk $0xffff, v1  }
0x47: {  	v2 =	vld [tilespmem:s28+$0x2820];
	_ =	sdelay $0x7  }
0x48: {  	[tilespmem:v2+s20+$0x0] =	vst.idx.add.f32.msk $0xffff, v1  }
0x49: {  	v2 =	vld [tilespmem:s28+$0x2830];
	_ =	sdelay $0x7  }
0x4a: {  	[tilespmem:v2+s20+$0x0] =	vst.idx.add.f32.msk $0xffff, v1  }
0x4b: {  	v2 =	vld [tilespmem:s28+$0x2840];
	_ =	sdelay $0x7  }
0x4c: {  	[tilespmem:v2+s20+$0x0] =	vst.idx.add.f32.msk $0xffff, v1  }
0x4d: {  	v2 =	vld [tilespmem:s28+$0x2850];
	_ =	sdelay $0x7  }
0x4e: {  	[tilespmem:v2+s20+$0x0] =	vst.idx.add.f32.msk $0xffff, v1  }
0x4f: {  	v2 =	vld [tilespmem:s28+$0x2860];
	_ =	sdelay $0x7  }
0x50: {  	[tilespmem:v2+s20+$0x0] =	vst.idx.add.f32.msk $0xffff, v1  }
0x51: {  	v2 =	vld [tilespmem:s28+$0x2870];
	_ =	sdelay $0x2  }
0x52: {  	p0 =	sne.s32 s26, $0x9C00  }
.Ltmp1:
0x53: {  	_ = 	snop;
	(pc) =	sbr.rel @p0 .LBB2_4-.Ltmp1, $2  }
0x54: {  	_ =	sdelay $0x2  }
0x55: {  	s26 =	sadd.s32 $0x200, s26;
	[tilespmem:v2+s20+$0x0] =	vst.idx.add.f32.msk $0xffff, v1  }
0x56: {  	[bflag:$0x0] =	sbarrier.arrive $0xFFFF  }
0x57: {  	[hbm:s21], [sflag:s22] =	dma.local [spmem:s23], $0x2800  }
0x58: {  	s25 =	sadd.s32 $0x1, s25;
	_ =	swait.ge [sflag:s16], $0x2800  }
0x59: {  	p0 =	sne.s32 s25, s14;
	[sflag:s16] =	ssyncset.done $0x0  }
.Ltmp2:
0x5a: {  	[sflag:s16] =	ssyncadd.s32 $0xFFFFD800;
	(pc) =	sbr.rel @p0 .LBB2_1-.Ltmp2, $4  }
0x5b: {  	[hbm4b:s13+s18] =	stream.strided.scatter [tilespmem:s20], [sflag:$0x2], $0x2800, s24, s18, $0x38;
	[tilespmem:$0x1F800] =	vst v63  }
0x5c: {  	_ =	swait.ge [sflag:s16], $0x2800  }
0x5d: {  	[sflag:s16] =	ssyncset.done $0x0  }
0x5e: {  	[sflag:s16] =	ssyncadd.s32 $0xFFFFD800  }
0x5f: {  	_ =	sfence.sel $0x180000  }
0x60: {  	[bflag:$0x0] =	sbarrier.arrive $0xFFFF  }
0x61: {  	p0 =	sne.s32 s0, $0x0;
	_ =	strace $0x90000047  }
0x62: {  	s0 =	sadd.s32 @!p0 $0x100000, s1;
	[bflag:$0x2] =	sbarrier.arrive $0xFFFF  }
0x63: {  	[sflag:s0] =	ssyncadd.tile.s32 @!p0 $0x1;
	_ =	shalt  }
.Lfunc_end2:
_tile_overlayer_lowered:
.L_overlay_start_2:
0x64: {  	(tag) =	ssettag $0x2  }
0x65: {  	s0 =	rddreg [dreg:$0x0];
	s2 =	stileid.u32  }
0x66: {  	s1 =	rddreg [dreg:$0x1];
	p0 =	sne.s32 s2, $0x0  }
0x67: {  	s3 =	rddreg [dreg:$0x2];
	[bflag:$0x3] =	sbarrier.arrive $0xFFFF;
	s2 =	simm.s32 @!p0 $0x1C02  }
0x68: {  	[timem:s3], [sflag:s2] =	dma.local @!p0 [hbm:s0], s1  }
0x69: {  	s0 =	simm.s32 @!p0 $0x2  }
0x6a: {  	_ =	swait.ge @!p0 [sflag:s0], s1  }
0x6b: {  	s1 =	ssub.s32 @!p0 $0x0, s1;
	[sflag:s0] =	ssyncset.done @!p0 $0x0  }
0x6c: {  	[sflag:s0] =	ssyncadd.s32 @!p0 s1  }
0x6d: {  	[bflag:$0x3] =	sbarrier.arrive $0xFFFF  }
0x6e: {  	_ =	shalt  }

</sc_bundles>
